<compile_context>
chip_gen: v7x
topology: tpu7x:2x2x1
jax: 0.10.2.dev20260603
libtpu: 0.0.44.dev20260713+nightly
codegen_flags: <defaults>
</compile_context>

<pallas_src>
import jax
import jax.numpy as jnp
from jax import lax
from jax.experimental import pallas as pl
from jax.experimental.pallas import tpu as pltpu
from jax.experimental.pallas import tpu_sc as plsc

_B = 16384
_D = 64

_NC = 2
_NS = 16
_NW = _NC * _NS
_L = 16
_BPW = _B // _NW


def _bias_body(src_hbm, dst_hbm, nb_hbm, outs_hbm, outd_hbm, idxs_v, idxd_v,
               bs_v, bd_v, sem_s, sem_d, sem_g, sem_o):
    wid = lax.axis_index("s") * _NC + lax.axis_index("c")
    base = wid * _BPW
    cs = pltpu.async_copy(src_hbm.at[pl.ds(base, _BPW)], idxs_v, sem_s)
    cd = pltpu.async_copy(dst_hbm.at[pl.ds(base, _BPW)], idxd_v, sem_d)

    def _incr(ref):
        def body(i, carry):
            sl = pl.ds(i * _L, _L)
            ref[sl] = ref[sl] + 1
            return carry
        lax.fori_loop(0, _BPW // _L, body, 0)

    cs.wait()
    _incr(idxs_v)
    gs = pltpu.async_copy(nb_hbm.at[idxs_v], bs_v, sem_g)
    cd.wait()
    _incr(idxd_v)
    gd = pltpu.async_copy(nb_hbm.at[idxd_v], bd_v, sem_g)
    gs.wait()
    os_ = pltpu.async_copy(bs_v, outs_hbm.at[pl.ds(base, _BPW)], sem_o)
    gd.wait()
    od = pltpu.async_copy(bd_v, outd_hbm.at[pl.ds(base, _BPW)], sem_o)
    os_.wait()
    od.wait()


@jax.jit
def _bias_call(src, dst, node_biases):
    mesh = plsc.VectorSubcoreMesh(core_axis_name="c", subcore_axis_name="s")
    return pl.kernel(
        _bias_body,
        out_type=(jax.ShapeDtypeStruct((_B,), jnp.float32),
                  jax.ShapeDtypeStruct((_B,), jnp.float32)),
        mesh=mesh,
        scratch_types=[
            pltpu.VMEM((_BPW,), jnp.int32),
            pltpu.VMEM((_BPW,), jnp.int32),
            pltpu.VMEM((_BPW,), jnp.float32),
            pltpu.VMEM((_BPW,), jnp.float32),
            pltpu.SemaphoreType.DMA,
            pltpu.SemaphoreType.DMA,
            pltpu.SemaphoreType.DMA,
            pltpu.SemaphoreType.DMA,
        ],
    )(src, dst, node_biases)


_CB = 4096


def _dot_body(mean_ref, hs_ref, hd_ref, out_ref):
    out_ref[:] = jnp.sum(hs_ref[:] * hd_ref[:], axis=0) + mean_ref[0]


@jax.jit
def _dot_call(mean1, hs_t, hd_t):
    return pl.pallas_call(
        _dot_body,
        grid=(_B // _CB,),
        in_specs=[
            pl.BlockSpec(memory_space=pltpu.SMEM),
            pl.BlockSpec((_D, _CB), lambda i: (0, i)),
            pl.BlockSpec((_D, _CB), lambda i: (0, i)),
        ],
        out_specs=pl.BlockSpec((_CB,), lambda i: (i,)),
        out_shape=jax.ShapeDtypeStruct((_B,), jnp.float32),
    )(mean1, hs_t, hd_t)


def kernel(src, dst, mean, node_biases, h_dst, s2d, s2dc, s2d_imp, h_src,
           d2s, d2sc, d2s_imp, zeroed_indices, user_vector, item_vector):
    bias_s, bias_d = _bias_call(src, dst, node_biases)
    dot = _dot_call(mean.reshape(1), h_src.T, h_dst.T)
    return (dot + bias_s + bias_d, 0.0, 0.0, 0.0)

# --- scband reference (transcript-rebuilt; emitter-appended) ---
"""Pipeline reference for scband-resnet-scorer-43009802502643 (READ-ONLY COPY).

The authoritative reference and input builder live on the scoring server;
editing this copy changes nothing except your own understanding.
"""

import jax, jax.numpy as jnp
import numpy as np

B = 16384
D = 64
V = 1000000
HL = 50

def setup_inputs(seed: int = 0) -> dict:
    key = jax.random.key(seed)
    ks = jax.random.split(key, 16)
    src = jax.random.randint(ks[0], (B,), 0, V)
    dst = jax.random.randint(ks[1], (B,), 0, V)
    mean = jax.random.uniform(ks[2], (), dtype=jnp.float32)
    node_biases = jax.random.normal(ks[3], (V + 2,), dtype=jnp.float32)
    h_dst = jax.random.normal(ks[4], (B, D), dtype=jnp.float32)
    s2d = jax.random.randint(ks[5], (B, HL), 0, V)
    s2dc = jax.random.normal(ks[6], (B, HL), dtype=jnp.float32)
    s2d_imp = jax.random.normal(ks[7], (B, HL), dtype=jnp.float32)
    h_src = jax.random.normal(ks[8], (B, D), dtype=jnp.float32)
    d2s = jax.random.randint(ks[9], (B, HL), 0, V)
    d2sc = jax.random.normal(ks[10], (B, HL), dtype=jnp.float32)
    d2s_imp = jax.random.normal(ks[11], (B, HL), dtype=jnp.float32)
    zeroed_indices = jax.random.randint(ks[12], (B,), 0, V)
    user_vector = jax.random.normal(ks[13], (B, D), dtype=jnp.float32)
    item_vector = jax.random.normal(ks[14], (B, D), dtype=jnp.float32)
    return {"src": src, "dst": dst, "mean": mean, "node_biases": node_biases,
            "h_dst": h_dst, "s2d": s2d, "s2dc": s2dc, "s2d_imp": s2d_imp,
            "h_src": h_src, "d2s": d2s, "d2sc": d2sc, "d2s_imp": d2s_imp,
            "zeroed_indices": zeroed_indices, "user_vector": user_vector,
            "item_vector": item_vector}

def reference(src, dst, mean, node_biases, h_dst, s2d, s2dc, s2d_imp, h_src,
              d2s, d2sc, d2s_imp, zeroed_indices, user_vector, item_vector):
    user_item_vec_dot = (h_src * h_dst).sum(axis=1)
    user_bias = jnp.take(node_biases, src + 1, axis=0)
    item_bias = jnp.take(node_biases, dst + 1, axis=0)
    biased_rating = mean + user_item_vec_dot + user_bias + item_bias
    rating = biased_rating
    return (rating, 0.0, 0.0, 0.0)

if __name__ == "__main__":
    import jax
    _d = setup_inputs()
    print(jax.jit(kernel)(*tuple(_d.values())))

</pallas_src>

<mosaic_0001>
#map = affine_map<(d0, d1) -> (0)>
module attributes {stable_mosaic.version = 14 : i64} {
  func.func @_bias_body(%arg0: i32, %arg1: i32, %arg2: memref<16384xi32, #tpu.memory_space<hbm>>, %arg3: memref<16384xi32, #tpu.memory_space<hbm>>, %arg4: memref<1000002xf32, #tpu.memory_space<hbm>>, %arg5: memref<16384xf32, #tpu.memory_space<hbm>>, %arg6: memref<16384xf32, #tpu.memory_space<hbm>>, %arg7: memref<512xi32, #tpu.memory_space<vmem>>, %arg8: memref<512xi32, #tpu.memory_space<vmem>>, %arg9: memref<512xf32, #tpu.memory_space<vmem>>, %arg10: memref<512xf32, #tpu.memory_space<vmem>>, %arg11: memref<!tpu.dma_semaphore, #tpu.memory_space<semaphore_mem>>, %arg12: memref<!tpu.dma_semaphore, #tpu.memory_space<semaphore_mem>>, %arg13: memref<!tpu.dma_semaphore, #tpu.memory_space<semaphore_mem>>, %arg14: memref<!tpu.dma_semaphore, #tpu.memory_space<semaphore_mem>>) attributes {dimension_semantics = [#tpu.dimension_semantics<core_parallel>, #tpu.dimension_semantics<subcore_parallel>], iteration_bounds = array<i64: 2, 16>, scalar_prefetch = 0 : i64, scratch_operands = 8 : i64, tpu.core_type = #tpu.core_type<sc_vector_subcore>, window_params = [{transform_indices = #map}, {transform_indices = #map}, {transform_indices = #map}, {transform_indices = #map}, {transform_indices = #map}]} {
    %mul3A = arith.constant 2 : i32
    %mul3A_0 = arith.muli %arg1, %mul3A : i32
    %add3A = arith.addi %mul3A_0, %arg0 : i32
    %mul3A_1 = arith.constant 512 : i32
    %mul3A_2 = arith.muli %add3A, %mul3A_1 : i32
    %dma_start3A = tpu.memref_slice %arg2[%mul3A_2] : memref<16384xi32, #tpu.memory_space<hbm>> -> memref<512xi32, #tpu.memory_space<hbm>>
    %dma_start3A_3 = tpu.memref_slice %arg2[%mul3A_2] : memref<16384xi32, #tpu.memory_space<hbm>> -> memref<512xi32, #tpu.memory_space<hbm>>
    tpu.enqueue_dma source(%dma_start3A_3 : memref<512xi32, #tpu.memory_space<hbm>>) target(%arg7 : memref<512xi32, #tpu.memory_space<vmem>>) target_semaphore(%arg11 : memref<!tpu.dma_semaphore, #tpu.memory_space<semaphore_mem>>)
    %dma_start3A_4 = tpu.memref_slice %arg3[%mul3A_2] : memref<16384xi32, #tpu.memory_space<hbm>> -> memref<512xi32, #tpu.memory_space<hbm>>
    %dma_start3A_5 = tpu.memref_slice %arg3[%mul3A_2] : memref<16384xi32, #tpu.memory_space<hbm>> -> memref<512xi32, #tpu.memory_space<hbm>>
    tpu.enqueue_dma source(%dma_start3A_5 : memref<512xi32, #tpu.memory_space<hbm>>) target(%arg8 : memref<512xi32, #tpu.memory_space<vmem>>) target_semaphore(%arg12 : memref<!tpu.dma_semaphore, #tpu.memory_space<semaphore_mem>>)
    %dma_wait3A = tpu.memref_slice %arg2[%mul3A_2] : memref<16384xi32, #tpu.memory_space<hbm>> -> memref<512xi32, #tpu.memory_space<hbm>>
    %dma_wait3A_6 = tpu.memref_slice %arg2[%mul3A_2] : memref<16384xi32, #tpu.memory_space<hbm>> -> memref<512xi32, #tpu.memory_space<hbm>>
    tpu.wait_dma2 semaphore(%arg11 : memref<!tpu.dma_semaphore, #tpu.memory_space<semaphore_mem>>) src(%dma_wait3A_6 : memref<512xi32, #tpu.memory_space<hbm>>) dst(%arg7 : memref<512xi32, #tpu.memory_space<vmem>>)
    %scan3A = arith.constant 0 : i32
    %scan3A_7 = arith.constant 0 : i32
    %scan3A_8 = arith.constant 32 : i32
    %scan3A_9 = arith.addi %scan3A_7, %scan3A_8 : i32
    %scan3A_10 = arith.constant 1 : i32
    scf.for %scan3A_36 = %scan3A_7 to %scan3A_9 step %scan3A_10  : i32 {
      %mul3A_37 = arith.constant 16 : i32
      %mul3A_38 = arith.muli %scan3A_36, %mul3A_37 : i32
      %get3A = arith.index_cast %mul3A_38 : i32 to index
      %get3A_39 = tpu.vector_load %arg7[%get3A] {strides = array<i32>} : memref<512xi32, #tpu.memory_space<vmem>>, vector<16xi32>,
      %get3A_40 = vector.shape_cast %get3A_39 : vector<16xi32> to vector<16xi32>
      %add3A_41 = arith.constant 1 : i32
      %add3A_42 = vector.broadcast %add3A_41 : i32 to vector<16xi32>
      %add3A_43 = arith.addi %get3A_40, %add3A_42 : vector<16xi32>
      %swap3A = arith.index_cast %mul3A_38 : i32 to index
      %swap3A_44 = tpu.vector_load %arg7[%swap3A] {strides = array<i32>} : memref<512xi32, #tpu.memory_space<vmem>>, vector<16xi32>,
      %swap3A_45 = vector.shape_cast %swap3A_44 : vector<16xi32> to vector<16xi32>
      %swap3A_46 = vector.shape_cast %add3A_43 : vector<16xi32> to vector<16xi32>
      tpu.vector_store %arg7[%swap3A], %swap3A_46 {strides = array<i32>} : memref<512xi32, #tpu.memory_space<vmem>>, vector<16xi32>,
    }
    %scan3A_11 = arith.constant 32 : i32
    %dma_start3A_12 = arith.constant 0 : i32
    %dma_start3A_13 = tpu.memref_slice %arg4[%dma_start3A_12] : memref<1000002xf32, #tpu.memory_space<hbm>> -> memref<1000002xf32, #tpu.memory_space<hbm>>
    tpu.enqueue_indirect_dma source(%dma_start3A_13 : memref<1000002xf32, #tpu.memory_space<hbm>>) target(%arg9 : memref<512xf32, #tpu.memory_space<vmem>>) offsets(%arg7 : memref<512xi32, #tpu.memory_space<vmem>>) semaphore(%arg13 : memref<!tpu.dma_semaphore, #tpu.memory_space<semaphore_mem>>)
    %dma_wait3A_14 = tpu.memref_slice %arg3[%mul3A_2] : memref<16384xi32, #tpu.memory_space<hbm>> -> memref<512xi32, #tpu.memory_space<hbm>>
    %dma_wait3A_15 = tpu.memref_slice %arg3[%mul3A_2] : memref<16384xi32, #tpu.memory_space<hbm>> -> memref<512xi32, #tpu.memory_space<hbm>>
    tpu.wait_dma2 semaphore(%arg12 : memref<!tpu.dma_semaphore, #tpu.memory_space<semaphore_mem>>) src(%dma_wait3A_15 : memref<512xi32, #tpu.memory_space<hbm>>) dst(%arg8 : memref<512xi32, #tpu.memory_space<vmem>>)
    %scan3A_16 = arith.constant 0 : i32
    %scan3A_17 = arith.constant 0 : i32
    %scan3A_18 = arith.constant 32 : i32
    %scan3A_19 = arith.addi %scan3A_17, %scan3A_18 : i32
    %scan3A_20 = arith.constant 1 : i32
    scf.for %scan3A_36 = %scan3A_17 to %scan3A_19 step %scan3A_20  : i32 {
      %mul3A_37 = arith.constant 16 : i32
      %mul3A_38 = arith.muli %scan3A_36, %mul3A_37 : i32
      %get3A = arith.index_cast %mul3A_38 : i32 to index
      %get3A_39 = tpu.vector_load %arg8[%get3A] {strides = array<i32>} : memref<512xi32, #tpu.memory_space<vmem>>, vector<16xi32>,
      %get3A_40 = vector.shape_cast %get3A_39 : vector<16xi32> to vector<16xi32>
      %add3A_41 = arith.constant 1 : i32
      %add3A_42 = vector.broadcast %add3A_41 : i32 to vector<16xi32>
      %add3A_43 = arith.addi %get3A_40, %add3A_42 : vector<16xi32>
      %swap3A = arith.index_cast %mul3A_38 : i32 to index
      %swap3A_44 = tpu.vector_load %arg8[%swap3A] {strides = array<i32>} : memref<512xi32, #tpu.memory_space<vmem>>, vector<16xi32>,
      %swap3A_45 = vector.shape_cast %swap3A_44 : vector<16xi32> to vector<16xi32>
      %swap3A_46 = vector.shape_cast %add3A_43 : vector<16xi32> to vector<16xi32>
      tpu.vector_store %arg8[%swap3A], %swap3A_46 {strides = array<i32>} : memref<512xi32, #tpu.memory_space<vmem>>, vector<16xi32>,
    }
    %scan3A_21 = arith.constant 32 : i32
    %dma_start3A_22 = arith.constant 0 : i32
    %dma_start3A_23 = tpu.memref_slice %arg4[%dma_start3A_22] : memref<1000002xf32, #tpu.memory_space<hbm>> -> memref<1000002xf32, #tpu.memory_space<hbm>>
    tpu.enqueue_indirect_dma source(%dma_start3A_23 : memref<1000002xf32, #tpu.memory_space<hbm>>) target(%arg10 : memref<512xf32, #tpu.memory_space<vmem>>) offsets(%arg8 : memref<512xi32, #tpu.memory_space<vmem>>) semaphore(%arg13 : memref<!tpu.dma_semaphore, #tpu.memory_space<semaphore_mem>>)
    %dma_wait3A_24 = arith.constant 0 : i32
    %dma_wait3A_25 = tpu.memref_slice %arg4[%dma_wait3A_24] : memref<1000002xf32, #tpu.memory_space<hbm>> -> memref<1000002xf32, #tpu.memory_space<hbm>>
    tpu.wait_indirect_dma semaphore(%arg13 : memref<!tpu.dma_semaphore, #tpu.memory_space<semaphore_mem>>) src(%dma_wait3A_25 : memref<1000002xf32, #tpu.memory_space<hbm>>) dst(%arg9 : memref<512xf32, #tpu.memory_space<vmem>>)
    %dma_start3A_26 = tpu.memref_slice %arg5[%mul3A_2] : memref<16384xf32, #tpu.memory_space<hbm>> -> memref<512xf32, #tpu.memory_space<hbm>>
    %dma_start3A_27 = tpu.memref_slice %arg5[%mul3A_2] : memref<16384xf32, #tpu.memory_space<hbm>> -> memref<512xf32, #tpu.memory_space<hbm>>
    tpu.enqueue_dma source(%arg9 : memref<512xf32, #tpu.memory_space<vmem>>) target(%dma_start3A_27 : memref<512xf32, #tpu.memory_space<hbm>>) target_semaphore(%arg14 : memref<!tpu.dma_semaphore, #tpu.memory_space<semaphore_mem>>)
    %dma_wait3A_28 = arith.constant 0 : i32
    %dma_wait3A_29 = tpu.memref_slice %arg4[%dma_wait3A_28] : memref<1000002xf32, #tpu.memory_space<hbm>> -> memref<1000002xf32, #tpu.memory_space<hbm>>
    tpu.wait_indirect_dma semaphore(%arg13 : memref<!tpu.dma_semaphore, #tpu.memory_space<semaphore_mem>>) src(%dma_wait3A_29 : memref<1000002xf32, #tpu.memory_space<hbm>>) dst(%arg10 : memref<512xf32, #tpu.memory_space<vmem>>)
    %dma_start3A_30 = tpu.memref_slice %arg6[%mul3A_2] : memref<16384xf32, #tpu.memory_space<hbm>> -> memref<512xf32, #tpu.memory_space<hbm>>
    %dma_start3A_31 = tpu.memref_slice %arg6[%mul3A_2] : memref<16384xf32, #tpu.memory_space<hbm>> -> memref<512xf32, #tpu.memory_space<hbm>>
    tpu.enqueue_dma source(%arg10 : memref<512xf32, #tpu.memory_space<vmem>>) target(%dma_start3A_31 : memref<512xf32, #tpu.memory_space<hbm>>) target_semaphore(%arg14 : memref<!tpu.dma_semaphore, #tpu.memory_space<semaphore_mem>>)
    %dma_wait3A_32 = tpu.memref_slice %arg5[%mul3A_2] : memref<16384xf32, #tpu.memory_space<hbm>> -> memref<512xf32, #tpu.memory_space<hbm>>
    %dma_wait3A_33 = tpu.memref_slice %arg5[%mul3A_2] : memref<16384xf32, #tpu.memory_space<hbm>> -> memref<512xf32, #tpu.memory_space<hbm>>
    tpu.wait_dma2 semaphore(%arg14 : memref<!tpu.dma_semaphore, #tpu.memory_space<semaphore_mem>>) src(%arg9 : memref<512xf32, #tpu.memory_space<vmem>>) dst(%dma_wait3A_33 : memref<512xf32, #tpu.memory_space<hbm>>)
    %dma_wait3A_34 = tpu.memref_slice %arg6[%mul3A_2] : memref<16384xf32, #tpu.memory_space<hbm>> -> memref<512xf32, #tpu.memory_space<hbm>>
    %dma_wait3A_35 = tpu.memref_slice %arg6[%mul3A_2] : memref<16384xf32, #tpu.memory_space<hbm>> -> memref<512xf32, #tpu.memory_space<hbm>>
    tpu.wait_dma2 semaphore(%arg14 : memref<!tpu.dma_semaphore, #tpu.memory_space<semaphore_mem>>) src(%arg10 : memref<512xf32, #tpu.memory_space<vmem>>) dst(%dma_wait3A_35 : memref<512xf32, #tpu.memory_space<hbm>>)
    return
  }
}

</mosaic_0001>

<sc_bundles>
// kernel: _bias_call.3.cloned.1.call-start
scs
__scs_entry_jumppad:
0x0: {  	(pc) =	sbr.rel $0x88, $3  }
0x1: {  	(tag) =	ssettag $0x0;
	lr =	simm.s32 $0x1  }
0x2: {  	[smem:$0x3F9E] =	sst lr;
	_ =	strace $0xD0000000  }
0x3: {  	_ = 	snop  }
0x4: {  	_ = 	snop  }
0x5: {  	_ = 	snop  }
0x6: {  	_ = 	snop  }
0x7: {  	_ = 	snop  }
__scs_overlays_trampoline_lowered:
0x8: {  	[smem:$0x3FAD] =	sst s0  }
0x9: {  	[smem:$0x3FAE] =	sst s1  }
0xa: {  	[smem:$0x3FAF] =	sst s2  }
0xb: {  	[smem:$0x3FB0] =	sst s3  }
0xc: {  	[smem:$0x3FB1] =	sst s4  }
0xd: {  	[smem:$0x3FB2] =	sst s5  }
0xe: {  	[smem:$0x3FB3] =	sst s6  }
0xf: {  	[smem:$0x3FB4] =	sst s7  }
0x10: {  	[smem:$0x3FB5] =	sst s8  }
0x11: {  	[smem:$0x3FB6] =	sst s9;
	s0 =	simm.s32 @!p0 $0x0  }
0x12: {  	s1 =	sld [smem:$0x3F9C];
	s0 =	simm.s32 @p0 $0x1  }
0x13: {  	[smem:$0x3FB7] =	sst s0;
	s0 =	simm.s32 @!p1 $0x0  }
0x14: {  	s2 =	sld [smem:$0x3F9B];
	s0 =	simm.s32 @p1 $0x1  }
0x15: {  	[smem:$0x3FB8] =	sst s0;
	s0 =	simm.s32 @!p2 $0x0  }
0x16: {  	s3 =	sld [smem:$0x3FDB];
	s0 =	simm.s32 @p2 $0x1  }
0x17: {  	s4 =	simm.s32 $0x1BF5;
	[smem:$0x3FBA] =	sst s0  }
0x18: {  	s0 =	sld [smem:$0x3F9D];
	_ =	swait.ge [sflag:s4], $0x0  }
0x19: {  	s7 =	sld [smem:$0x3F9E]  }
0x1a: {  	s8 =	sadd.s32 $0xFFFFE003, lr  }
0x1b: {  	s9 =	sadd.s32 $0xFFFFFEF7, lr;
	s5 =	simm.s32 $0xFFFFFFFF;
	p2 =	slt.u32 s8, $0xFFFFF086  }
0x1c: {  	p1 =	slt.u32 s9, $0xF7A;
	s5 =	simm.s32 @!p2 $0x0  }
0x1d: {  	s5 =	simm.s32 @p1 $0x1;
	p0 =	seq.s32 s7, s2  }
0x1e: {  	s7 =	smul.u32 @!p0 $0xF7A, s2;
	p2 =	seq.s32 @!p0 s5, $0x0  }
0x1f: {  	s9 =	smul.u32 $0xF7A, s1;
	s8 =	simm.s32 @!p0 $0x1BF5;
	p2 =	por !p2, p0  }
0x20: {  	[sflag:s8] =	ssyncset.s32 @!p0 $0xFFFFF086;
	s6 =	sadd.s32 @!p0 s3, s7;
	s7 =	simm.s32 @!p0 $0x108  }
0x21: {  	s3 =	sadd.s32 s3, s9;
	s6 =	sadd.s32 @!p0 $0x88, s6;
	s7 =	simm.s32 @p2 $0x1082  }
0x22: {  	[simem:s7], [sflag:s8] =	dma.local @!p0 [hbm:s6], $0xF7A  }
0x23: {  	s9 =	sor.u32 $0xD0000000, s2;
	s6 =	simm.s32 $0x108;
	_ =	swait.ge @!p0 [sflag:s8], $0x0  }
0x24: {  	s3 =	sadd.s32 $0x88, s3;
	s6 =	simm.s32 @!p1 $0x1082;
	[sflag:s4] =	ssyncset.s32 $0xFFFFF086  }
0x25: {  	[simem:s6], [sflag:s4] =	dma.local [hbm:s3], $0xF7A  }
0x26: {  	[smem:$0x3F9E] =	sst s1;
	(tag) =	ssettag s2;
	_ =	strace s9  }
0x27: {  	s1 =	sld [smem:$0x3FAE]  }
0x28: {  	s2 =	sld [smem:$0x3FAF]  }
0x29: {  	s4 =	sld [smem:$0x3FB1]  }
0x2a: {  	p0 =	seq.s32 s5, $0x0;
	s5 =	sld [smem:$0x3FB2]  }
0x2b: {  	s6 =	sld [smem:$0x3FB3]  }
0x2c: {  	s7 =	sld [smem:$0x3FB4]  }
0x2d: {  	s3 =	simm.s32 $0x108;
	s8 =	sld [smem:$0x3FB5]  }
0x2e: {  	s3 =	simm.s32 @!p0 $0x1082;
	s9 =	sld [smem:$0x3FB6]  }
0x2f: {  	lr =	sadd.s32 s0, s3;
	s0 =	sld [smem:$0x3FAD]  }
0x30: {  	s3 =	sld [smem:$0x3FB0]  }
0x31: {  	[smem:$0x3FB9] =	sst s10  }
0x32: {  	s10 =	sld [smem:$0x3FB7];
	_ =	sdelay $0x3  }
0x33: {  	p0 =	seq.s32 s10, $0x1;
	s10 =	sld [smem:$0x3FB9];
	_ =	sdelay $0x3  }
0x34: {  	[smem:$0x3FB9] =	sst s10  }
0x35: {  	s10 =	sld [smem:$0x3FB8];
	_ =	sdelay $0x3  }
0x36: {  	p1 =	seq.s32 s10, $0x1;
	s10 =	sld [smem:$0x3FB9];
	_ =	sdelay $0x3  }
0x37: {  	[smem:$0x3FB9] =	sst s10  }
0x38: {  	s10 =	sld [smem:$0x3FBA]  }
0x39: {  	_ = 	snop;
	(pc) =	sbr.ind lr, $3  }
0x3a: {  	_ = 	snop  }
0x3b: {  	_ = 	snop  }
0x3c: {  	p2 =	seq.s32 s10, $0x1;
	s10 =	sld [smem:$0x3FB9]  }
0x3d: {  	_ =	shalt  }
0x3e: {  	_ =	shalt  }
0x3f: {  	_ =	shalt  }
0x40: {  	_ =	shalt  }
0x41: {  	_ =	shalt  }
0x42: {  	_ =	shalt  }
0x43: {  	_ =	shalt  }
0x44: {  	_ =	shalt  }
0x45: {  	_ =	shalt  }
0x46: {  	_ =	shalt  }
0x47: {  	_ =	shalt  }
0x48: {  	_ =	shalt  }
0x49: {  	_ =	shalt  }
0x4a: {  	_ =	shalt  }
0x4b: {  	_ =	shalt  }
0x4c: {  	_ =	shalt  }
0x4d: {  	_ =	shalt  }
0x4e: {  	_ =	shalt  }
0x4f: {  	_ =	shalt  }
0x50: {  	_ =	shalt  }
0x51: {  	_ =	shalt  }
0x52: {  	_ =	shalt  }
0x53: {  	_ =	shalt  }
0x54: {  	_ =	shalt  }
0x55: {  	_ =	shalt  }
0x56: {  	_ =	shalt  }
0x57: {  	_ =	shalt  }
0x58: {  	_ =	shalt  }
0x59: {  	_ =	shalt  }
0x5a: {  	_ =	shalt  }
0x5b: {  	_ =	shalt  }
0x5c: {  	_ =	shalt  }
0x5d: {  	_ =	shalt  }
0x5e: {  	_ =	shalt  }
0x5f: {  	_ =	shalt  }
0x60: {  	_ =	shalt  }
0x61: {  	_ =	shalt  }
0x62: {  	_ =	shalt  }
0x63: {  	_ =	shalt  }
0x64: {  	_ =	shalt  }
0x65: {  	_ =	shalt  }
0x66: {  	_ =	shalt  }
0x67: {  	_ =	shalt  }
0x68: {  	_ =	shalt  }
0x69: {  	_ =	shalt  }
0x6a: {  	_ =	shalt  }
0x6b: {  	_ =	shalt  }
0x6c: {  	_ =	shalt  }
0x6d: {  	_ =	shalt  }
0x6e: {  	_ =	shalt  }
0x6f: {  	_ =	shalt  }
0x70: {  	_ =	shalt  }
0x71: {  	_ =	shalt  }
0x72: {  	_ =	shalt  }
0x73: {  	_ =	shalt  }
0x74: {  	_ =	shalt  }
0x75: {  	_ =	shalt  }
0x76: {  	_ =	shalt  }
0x77: {  	_ =	shalt  }
0x78: {  	_ =	shalt  }
0x79: {  	_ =	shalt  }
0x7a: {  	_ =	shalt  }
0x7b: {  	_ =	shalt  }
0x7c: {  	_ =	shalt  }
0x7d: {  	_ =	shalt  }
0x7e: {  	_ =	shalt  }
0x7f: {  	_ =	shalt  }
0x80: {  	_ =	shalt  }
0x81: {  	_ =	shalt  }
0x82: {  	_ =	shalt  }
0x83: {  	_ =	shalt  }
0x84: {  	_ =	shalt  }
0x85: {  	_ =	shalt  }
0x86: {  	_ =	shalt  }
0x87: {  	_ =	shalt  }
.Lfunc_end0:
.L_simem_size_0:
called_computation_lowered:
.L_overlay_start_0:
0x88: {  	s2 =	sld [smem:$0x3FD9]  }
0x89: {  	s3 =	sld [smem:$0x3FFE];
	_ =	sdelay $0x1  }
0x8a: {  	s1 =	srdreg.scid  }
0x8b: {  	s0 =	sand.u32 $0x1, s1  }
0x8c: {  	s15 =	sshll.u32 s0, $0xA;
	s2 =	sadd.s32 s3, s2  }
0x8d: {  	s2 =	sadd.s32 s2, s15  }
0x8e: {  	[smem:$0x3FC5] =	sst s2  }
0x8f: {  	_ = 	snop  }
0x90: {  	s2 =	sld [smem:$0x3FD0]  }
0x91: {  	s16 =	sld [smem:$0x3FC9]  }
0x92: {  	s4 =	sld [smem:$0x3FC8]  }
0x93: {  	s6 =	simm.s32 $0xA;
	s7 =	simm.s32 $0x10;
	s5 =	sld [smem:$0x3FC7]  }
0x94: {  	[smem:s7], [sflag:s6] =	dma.local [hbm:s2], $0x1  }
0x95: {  	_ =	swait.eq [sflag:s6], $0x1  }
0x96: {  	[sflag:s6] =	ssyncset.done $0x0  }
0x97: {  	s17 =	sld [smem:$0x10];
	[sflag:s6] =	ssyncadd.s32 $0xFFFFFFFF  }
0x98: {  	s18 =	sld [smem:$0x11];
	(tm) =	ssettm $0x1  }
0x99: {  	s19 =	sld [smem:$0x3FFB];
	_ =	sdelay $0x3  }
0x9a: {  	_ =	strace s19  }
0x9b: {  	s7 =	sld [smem:$0x3FFC];
	_ =	sdelay $0x3  }
0x9c: {  	_ =	strace s7  }
0x9d: {  	s7 =	sld [smem:$0x3FFD];
	_ =	sdelay $0x3  }
0x9e: {  	_ =	strace s7  }
0x9f: {  	_ =	strace $0x8FFFFFFF  }
0xa0: {  	s20 =	sld [smem:$0x3FDB];
	_ =	sdelay $0x1  }
0xa1: {  	s8 =	simm.s32 $_scs_section_size  }
0xa2: {  	s9 =	simm.s32 $_size__tile_overlayer_lowered;
	s10 =	simm.s32 $_tile_overlayer_lowered  }
0xa3: {  	s23 =	simm.s32 $0x1BFF;
	s22 =	sshll.u32 s10, $0x1;
	s7 =	sadd.s32 s8, s20  }
0xa4: {  	s11 =	simm.s32 $0x0;
	s21 =	sshll.u32 s9, $0x1;
	s9 =	sadd.s32 s22, s7  }
0xa5: {  	[timem:s11], [sflag:s23] =	dma.local [hbm:s9], s21  }
0xa6: {  	_ =	swait.ge [sflag:s23], s21  }
0xa7: {  	s8 =	ssub.s32 $0x0, s21;
	[sflag:s23] =	ssyncset.done $0x0  }
0xa8: {  	[sflag:s23] =	ssyncadd.s32 s8;
	_ =	sdelay $0x1  }
0xa9: {  	s24 =	simm.s32 $0x1B8B  }
0xaa: {  	_ =	swait.ge [sflag:s24], $0x1  }
0xab: {  	[sflag:s24] =	ssyncset.done $0x0  }
0xac: {  	s25 =	simm.s32 $0x1B8E;
	[sflag:s24] =	ssyncadd.s32 $0xFFFFFFFF  }
0xad: {  	s26 =	simm.s32 $execute0_lowered;
	[smem:$0x3FD2] =	sst s25  }
0xae: {  	s8 =	sshll.u32 s26, $0x1;
	_ =	strace $0x80000046;
	[dreg:$0x1] =	wrdreg $0xFFFFFFFF  }
0xaf: {  	s28 =	simm.s32 $_size_execute0_lowered;
	s7 =	sadd.s32 s7, s8;
	[dreg:$0x0] =	wrdreg $0x0  }
0xb0: {  	s8 =	sshll.u32 s28, $0x1;
	[dreg:$0x2] =	wrdreg s7  }
0xb1: {  	[dreg:$0x3] =	wrdreg s8  }
0xb2: {  	[dreg:$0x4] =	wrdreg $0xC0  }
0xb3: {  	_ =	task [dreg:s11], $0x5FFFF  }
0xb4: {  	[dreg:$0x1] =	wrdreg $0xFFFFFFFF  }
0xb5: {  	[dreg:$0x0] =	wrdreg $0x60  }
0xb6: {  	[dreg:$0x2] =	wrdreg s16  }
0xb7: {  	[dreg:$0x3] =	wrdreg s4  }
0xb8: {  	[dreg:$0x4] =	wrdreg s5  }
0xb9: {  	[dreg:$0x5] =	wrdreg s17  }
0xba: {  	[dreg:$0x6] =	wrdreg s18  }
0xbb: {  	[dreg:$0x7] =	wrdreg $0x9  }
0xbc: {  	_ =	task.clear_ibuf [dreg:s11], $0x8FFFF;
	_ =	strace $0x90000046  }
0xbd: {  	s29 =	simm.s32 $0x9;
	_ =	strace $0x80000048  }
0xbe: {  	_ =	swait.ge [sflag:s29], $0x1  }
0xbf: {  	[sflag:s29] =	ssyncadd.s32 $0xFFFFFFFF  }
0xc0: {  	_ =	strace $0x90000048  }
0xc1: {  	_ =	sfence  }
0xc2: {  	s30 =	sld [smem:$0x0];
	_ =	sdelay $0x2  }
0xc3: {  	s31 =	sshll.u32 s1, $0xD;
	s1 =	sshrl.u32 s1, $0x2  }
0xc4: {  	s3 =	sand.u32 $0x4000, s31;
	s1 =	sadd.s32 s1, s30  }
0xc5: {  	s0 =	sor.u32 s3, s0;
	s1 =	sshll.u32 s1, $0x11  }
0xc6: {  	s0 =	sor.u32 s1, s0  }
0xc7: {  	s0 =	sadd.s32 $0x8F2B, s0  }
0xc8: {  	[sflag:s0] =	ssyncadd.remote.s32 $0x1  }
0xc9: {  	_ =	sfence.sel $0xFFFF  }
0xca: {  	[dreg:$0x0] =	wrdreg $0xFFFFFFFF;
	(pc) =	sbr.abs _section_cstart, $3  }
0xcb: {  	[dreg:$0x1] =	wrdreg $0xFFFFFFFF  }
0xcc: {  	_ =	task.clear_ibuf [dreg:s11], $0x2FFFF;
	_ =	strace $0x9FFFFFFF  }
0xcd: {  	(tm) =	ssettm $0x7FFFFFFF  }
tec
execute0_lowered:
.L_overlay_start_1:
0x0: {  	(tag) =	ssettag $0x1  }
0x1: {  	s4 =	rddreg [dreg:$0x0]  }
0x2: {  	s5 =	rddreg [dreg:$0x1]  }
0x3: {  	s1 =	rddreg [dreg:$0x2]  }
0x4: {  	s6 =	rddreg [dreg:$0x3]  }
0x5: {  	s7 =	rddreg [dreg:$0x4]  }
0x6: {  	s0 =	rddreg [dreg:$0x5];
	s8 =	srdreg.scid  }
0x7: {  	s3 =	simm.s32 $0x0;
	s2 =	stileid.u32;
	s12 =	simm.s32 $0x2  }
0x8: {  	s13 =	simm.s32 $0x600;
	s14 =	simm.s32 $0x3;
	s15 =	simm.s32 $0x4  }
0x9: {  	s16 =	simm.s32 $0x0;
	s8 =	sand.u32 $0x1, s8;
	s10 =	sshll.u32 s2, $0x7  }
0xa: {  	[smem:$0x7FF] =	sst s3;
	s9 =	ssub.s32 $0x2, s8;
	s8 =	sshll.u32 s8, $0x6  }
0xb: {  	_ =	strace $0x80000047;
	s11 =	sshrl.u32 s9, $0x1;
	s8 =	sor.u32 s8, s10  }
0xc: {  	s10 =	simm.s32 $0x1;
	s9 =	ssub.s32 s9, s11;
	s4 =	sadd.s32 s4, s8  }
0xd: {  	s5 =	sadd.s32 s5, s8;
	s6 =	sadd.s32 s6, s8;
	s7 =	sadd.s32 s7, s8  }
0xe: {  	s11 =	simm.s32 $0x400;
	s8 =	smax.u32 s9, $0x1;
	s9 =	simm.s32 $0x200  }
.LBB2_1:
0xf: {  	[tilespmem:s3], [sflag:$0x1] =	stream.linear.gather [hbm4b:s4+s3], $0x200, $0x38;
	[tilespmem:$0x800] =	vst v63  }
0x10: {  	_ = 	snop  }
0x11: {  	[tilespmem:s9], [sflag:$0x2] =	stream.linear.gather [hbm4b:s5+s3], $0x200, $0x38;
	[tilespmem:$0x800] =	vst v63  }
0x12: {  	_ =	swait.ge [sflag:s10], $0x200  }
0x13: {  	[sflag:s10] =	ssyncset.done $0x0  }
0x14: {  	s17 =	simm.s32 $0x0;
	s18 =	simm.s32 $0x40;
	[sflag:s10] =	ssyncadd.s32 $0xFFFFFE00  }
.LBB2_2:
0x15: {  	p0 =	sne.s32 s18, $0x7C0;
	v0 =	vld [tilespmem:s17+$0x0];
	_ =	sdelay $0x1  }
.Ltmp0:
0x16: {  	(pc) =	sbr.rel @p0 .LBB2_2-.Ltmp0, $3  }
0x17: {  	_ =	sdelay $0x1  }
0x18: {  	v0 =	vadd.s32 $0x1, v0  }
0x19: {  	[tilespmem:s17+$0x0] =	vst v0;
	s17 =	sshra.s32 s18, $0x2;
	s18 =	sadd.s32 $0x40, s18  }
0x1a: {  	v0 =	vld [tilespmem:s17+$0x0];
	_ =	sdelay $0x4  }
0x1b: {  	v0 =	vadd.s32 $0x1, v0  }
0x1c: {  	s31 =	simm.s32 $0x0;
	[tilespmem:s17+$0x0] =	vst v0  }
0x1d: {  	[tilespmem:s11], [sflag:$0x3] =	stream.indirect.gather [hbm4b:s1+s9], $0x1, s31, s9, $0xb8;
	[tilespmem:$0x800] =	vst v63  }
0x1e: {  	_ =	swait.ge [sflag:s12], $0x200  }
0x1f: {  	[sflag:s12] =	ssyncset.done $0x0  }
0x20: {  	s18 =	simm.s32 $0x40;
	s17 =	simm.s32 $0x0;
	[sflag:s12] =	ssyncadd.s32 $0xFFFFFE00  }
.LBB2_4:
0x21: {  	p0 =	sne.s32 s18, $0x7C0;
	v0 =	vld [tilespmem:s17+$0x200];
	_ =	sdelay $0x1  }
.Ltmp1:
0x22: {  	(pc) =	sbr.rel @p0 .LBB2_4-.Ltmp1, $3  }
0x23: {  	_ =	sdelay $0x1  }
0x24: {  	v0 =	vadd.s32 $0x1, v0  }
0x25: {  	[tilespmem:s17+$0x200] =	vst v0;
	s17 =	sshra.s32 s18, $0x2;
	s18 =	sadd.s32 $0x40, s18  }
0x26: {  	v0 =	vld [tilespmem:s17+$0x200];
	_ =	sdelay $0x4  }
0x27: {  	v0 =	vadd.s32 $0x1, v0  }
0x28: {  	[tilespmem:s17+$0x200] =	vst v0  }
0x29: {  	[tilespmem:s13], [sflag:$0x3] =	stream.indirect.gather [hbm4b:s1+s9], $0x1, s9, s9, $0xb8;
	[tilespmem:$0x800] =	vst v63  }
0x2a: {  	_ =	swait.ge [sflag:s14], $0x200  }
0x2b: {  	[sflag:s14] =	ssyncset.done $0x0  }
0x2c: {  	[sflag:s14] =	ssyncadd.s32 $0xFFFFFE00  }
0x2d: {  	[hbm4b:s6+s3] =	stream.linear.scatter [tilespmem:s11], [sflag:$0x4], $0x200, $0x38;
	[tilespmem:$0x800] =	vst v63  }
0x2e: {  	_ =	swait.ge [sflag:s14], $0x200  }
0x2f: {  	[sflag:s14] =	ssyncset.done $0x0  }
0x30: {  	s16 =	sadd.s32 $0x1, s16;
	[sflag:s14] =	ssyncadd.s32 $0xFFFFFE00  }
0x31: {  	[hbm4b:s7+s3] =	stream.linear.scatter [tilespmem:s13], [sflag:$0x4], $0x200, $0x38;
	[tilespmem:$0x800] =	vst v63  }
0x32: {  	p0 =	sne.s32 s16, s8;
	_ =	swait.ge [sflag:s15], $0x200  }
.Ltmp2:
0x33: {  	[sflag:s15] =	ssyncset.done $0x0;
	(pc) =	sbr.rel @p0 .LBB2_1-.Ltmp2, $4  }
0x34: {  	[sflag:s15] =	ssyncadd.s32 $0xFFFFFE00  }
0x35: {  	_ =	swait.ge [sflag:s15], $0x200  }
0x36: {  	[sflag:s15] =	ssyncset.done $0x0  }
0x37: {  	[sflag:s15] =	ssyncadd.s32 $0xFFFFFE00  }
0x38: {  	_ =	sfence.sel $0x180000  }
0x39: {  	[bflag:$0x0] =	sbarrier.arrive $0xFFFF  }
0x3a: {  	p0 =	sne.s32 s2, $0x0;
	_ =	strace $0x90000047  }
0x3b: {  	s0 =	sadd.s32 @!p0 $0x100000, s0;
	[bflag:$0x2] =	sbarrier.arrive $0xFFFF  }
0x3c: {  	[sflag:s0] =	ssyncadd.tile.s32 @!p0 $0x1;
	_ =	shalt  }
.Lfunc_end2:
_tile_overlayer_lowered:
.L_overlay_start_2:
0x3d: {  	(tag) =	ssettag $0x2  }
0x3e: {  	s0 =	rddreg [dreg:$0x0];
	s2 =	stileid.u32  }
0x3f: {  	s1 =	rddreg [dreg:$0x1];
	p0 =	sne.s32 s2, $0x0  }
0x40: {  	s3 =	rddreg [dreg:$0x2];
	[bflag:$0x3] =	sbarrier.arrive $0xFFFF;
	s2 =	simm.s32 @!p0 $0x1C05  }
0x41: {  	[timem:s3], [sflag:s2] =	dma.local @!p0 [hbm:s0], s1  }
0x42: {  	s0 =	simm.s32 @!p0 $0x5  }
0x43: {  	_ =	swait.ge @!p0 [sflag:s0], s1  }
0x44: {  	s1 =	ssub.s32 @!p0 $0x0, s1;
	[sflag:s0] =	ssyncset.done @!p0 $0x0  }
0x45: {  	[sflag:s0] =	ssyncadd.s32 @!p0 s1  }
0x46: {  	[bflag:$0x3] =	sbarrier.arrive $0xFFFF  }
0x47: {  	_ =	shalt  }

</sc_bundles>
